<compile_context>
chip_gen: v7x
topology: tpu7x:2x2x1
jax: 0.10.2.dev20260603
libtpu: 0.0.44.dev20260713+nightly
codegen_flags: <defaults>
</compile_context>

<pallas_src>
import functools

import jax
import jax.numpy as jnp
from jax import lax
from jax.experimental import pallas as pl
from jax.experimental.pallas import tpu as pltpu
from jax.experimental.pallas import tpu_sc as plsc

_K = 1024
_D = 64
_N = 16 * 1024
_R = 1024
_GRID = _N // _R
_SLABS = _R * _K // (1024 * 256)

_NC = 2
_NS = 16
_NW = _NC * _NS
_BPW = _N // _NW


def _tc_body(in_ref, w_ref, wsq_ref, xsq_ref, dist_ref, enc_ref, idx_ref,
             loss_ref):
    i = pl.program_id(0)
    xb = jnp.transpose(in_ref[0], (1, 0))
    w = w_ref[...]
    xsq = xsq_ref[...]
    wsq = wsq_ref[...]
    mm = jax.lax.dot_general(
        xb.astype(jnp.bfloat16), w,
        dimension_numbers=(((1,), (1,)), ((), ())),
        preferred_element_type=jnp.float32)
    dist = xsq + wsq - 2.0 * mm
    dist_ref[...] = dist.reshape(_SLABS, 1024, 256)

    mind = jnp.min(dist, axis=1, keepdims=True)
    kiota = jax.lax.broadcasted_iota(jnp.int32, (_R, _K), 1)
    idx = jnp.min(jnp.where(dist == mind, kiota, _K), axis=1)
    idx_ref[...] = idx[None, None, :]

    one_hot = (kiota == idx[:, None]).astype(jnp.float32)
    enc_ref[...] = one_hot.reshape(_SLABS, 1024, 256)

    @pl.when(i == 0)
    def _init():
        loss_ref[...] = jnp.zeros_like(loss_ref)

    s = jnp.sum(mind)
    lane = jax.lax.broadcasted_iota(jnp.int32, (1, 128), 1)
    loss_ref[...] += jnp.where(lane == 0, s, 0.0)


def _sc_body(wpad_hbm, idx_hbm, zeros_hbm, qpad_hbm, counts_hbm,
             idx_v, rows_v, counts_v, sem):
    wid = lax.axis_index("s") * _NC + lax.axis_index("c")
    base = wid * _BPW
    pltpu.sync_copy(idx_hbm.at[pl.ds(base, _BPW)], idx_v)

    gathers = [
        pltpu.async_copy(wpad_hbm.at[idx_v.at[pl.ds(128 * j, 128)]],
                         rows_v.at[pl.ds(128 * j, 128), :], sem)
        for j in range(4)
    ]

    pltpu.sync_copy(zeros_hbm, counts_v)
    ones = jnp.ones((16,), jnp.float32)
    for g in range(_BPW // 16):
        cols = idx_v[pl.ds(g * 16, 16)]
        plsc.addupdate_scatter(counts_v, [cols], ones)
    pltpu.sync_copy(counts_v, counts_hbm.at[wid])

    for cp in gathers:
        cp.wait()
    pltpu.sync_copy(rows_v, qpad_hbm.at[pl.ds(base, _BPW), :])


def _sc_encode(wpad, idx_flat, zeros):
    mesh = plsc.VectorSubcoreMesh(core_axis_name="c", subcore_axis_name="s",
                                  num_cores=_NC, num_subcores=_NS)
    f = functools.partial(
        pl.kernel, _sc_body, mesh=mesh,
        out_type=[
            jax.ShapeDtypeStruct((_N, 128), jnp.float32),
            jax.ShapeDtypeStruct((_NW, _K), jnp.float32),
        ],
        scratch_types=[
            pltpu.VMEM((_BPW,), jnp.int32),
            pltpu.VMEM((_BPW, 128), jnp.float32),
            pltpu.VMEM((_K,), jnp.float32),
            pltpu.SemaphoreType.DMA,
        ],
        compiler_params=pltpu.CompilerParams(needs_layout_passes=False),
    )()
    return f(wpad, idx_flat, zeros)


def kernel(inputs, weight):
    x = jnp.transpose(inputs, (0, 2, 1)).reshape(_N, _D)

    dist3, enc3, idx, losspart = pl.pallas_call(
        _tc_body,
        grid=(_GRID,),
        in_specs=[
            pl.BlockSpec((1, _D, 1024), lambda i: (i, 0, 0)),
            pl.BlockSpec((_K, _D), lambda i: (0, 0)),
            pl.BlockSpec((1, _K), lambda i: (0, 0)),
            pl.BlockSpec((_R, 1), lambda i: (i, 0)),
        ],
        out_specs=[
            pl.BlockSpec((_SLABS, 1024, 256), lambda i: (i, 0, 0)),
            pl.BlockSpec((_SLABS, 1024, 256), lambda i: (i, 0, 0)),
            pl.BlockSpec((1, 1, _R), lambda i: (i, 0, 0)),
            pl.BlockSpec((1, 128), lambda i: (0, 0)),
        ],
        out_shape=[
            jax.ShapeDtypeStruct((_D, 1024, 256), jnp.float32),
            jax.ShapeDtypeStruct((_D, 1024, 256), jnp.float32),
            jax.ShapeDtypeStruct((_GRID, 1, _R), jnp.int32),
            jax.ShapeDtypeStruct((1, 128), jnp.float32),
        ],
    )(inputs, weight, jnp.sum(weight ** 2, axis=1)[None, :],
      jnp.sum(x ** 2, axis=1)[:, None])

    zeros = jnp.zeros((_K,), jnp.float32)
    wpad = jnp.pad(weight, ((0, 0), (0, 128 - _D)))
    qpad, counts32 = _sc_encode(wpad, idx.reshape(_N), zeros)
    idx_out = idx.reshape(_N)[:, None]

    n_elems = jnp.float32(_N * _D)
    e_latent = losspart[0, 0] / n_elems
    vq_loss = e_latent + 0.25 * e_latent

    counts = jnp.sum(counts32, axis=0)
    avg_probs = counts / jnp.float32(_N)
    perplexity = jnp.exp(-jnp.sum(avg_probs * jnp.log(avg_probs + 1e-10)))

    q = qpad[:, :_D]
    quantized_st = jnp.transpose(q.reshape(16, 1024, _D), (0, 2, 1))
    return (vq_loss, quantized_st, perplexity, enc3, dist3, idx_out)

# --- scband reference (transcript-rebuilt; emitter-appended) ---
"""Pipeline reference for scband-vector-quantizer-sonnet-16011638079671 (READ-ONLY COPY).

The authoritative reference and input builder live on the scoring server;
editing this copy changes nothing except your own understanding.
"""

import jax, jax.numpy as jnp
import numpy as np

NUM_EMBEDDINGS = 1024
EMBEDDING_DIM = 64
COMMITMENT_COST = 0.25


def setup_inputs(seed: int = 0) -> dict:
    key = jax.random.key(seed)
    k1, k2 = jax.random.split(key)
    inputs = jax.random.normal(k1, (16, 64, 1024), dtype=jnp.float32)
    weight = jax.random.uniform(
        k2, (NUM_EMBEDDINGS, EMBEDDING_DIM),
        minval=-1.0 / NUM_EMBEDDINGS, maxval=1.0 / NUM_EMBEDDINGS,
        dtype=jnp.float32,
    )
    return {"inputs": inputs, "weight": weight}


def reference(inputs, weight):
    # inputs: [B, D, T] -> permute to [B, T, D]
    x = jnp.transpose(inputs, (0, 2, 1))
    input_shape = x.shape
    _, time, batch_size = input_shape  # note: torch code names D as batch_size
    flat = x.reshape(-1, EMBEDDING_DIM)
    # squared L2 distances to each codebook vector: [N, K]
    distances = (
        jnp.sum(flat ** 2, axis=1, keepdims=True)
        + jnp.sum(weight ** 2, axis=1)
        - 2.0 * (flat @ weight.T)
    )
    encoding_indices = jnp.argmin(distances, axis=1)[:, None]
    N = flat.shape[0]
    # one-hot encodings via scatter-set (maps to SparseCore scatter)
    encodings = jnp.zeros((N, NUM_EMBEDDINGS), dtype=jnp.float32)
    encodings = encodings.at[jnp.arange(N), encoding_indices[:, 0]].set(1.0)
    quantized = (encodings @ weight).reshape(input_shape)
    e_latent_loss = jnp.mean((jax.lax.stop_gradient(quantized) - x) ** 2)
    q_latent_loss = jnp.mean((quantized - jax.lax.stop_gradient(x)) ** 2)
    commitment_loss = COMMITMENT_COST * e_latent_loss
    vq_loss = q_latent_loss + commitment_loss
    # straight-through estimator
    quantized_st = x + jax.lax.stop_gradient(quantized - x)
    avg_probs = jnp.mean(encodings, axis=0)
    perplexity = jnp.exp(-jnp.sum(avg_probs * jnp.log(avg_probs + 1e-10)))
    return (
        vq_loss,
        jnp.transpose(quantized_st, (0, 2, 1)),
        perplexity,
        encodings.reshape(batch_size, time, -1),
        distances.reshape(batch_size, time, -1),
        encoding_indices,
    )

if __name__ == "__main__":
    import jax
    _d = setup_inputs()
    print(jax.jit(kernel)(*tuple(_d.values())))

</pallas_src>

<mosaic_0001>
#map = affine_map<(d0, d1) -> (0, 0)>
#map1 = affine_map<(d0, d1) -> (0)>
module attributes {stable_mosaic.version = 14 : i64} {
  func.func @_sc_body(%arg0: i32, %arg1: i32, %arg2: memref<1024x128xf32, #tpu.memory_space<hbm>>, %arg3: memref<16384xi32, #tpu.memory_space<hbm>>, %arg4: memref<1024xf32, #tpu.memory_space<hbm>>, %arg5: memref<16384x128xf32, #tpu.memory_space<hbm>>, %arg6: memref<32x1024xf32, #tpu.memory_space<hbm>>, %arg7: memref<512xi32, #tpu.memory_space<vmem>>, %arg8: memref<512x128xf32, #tpu.memory_space<vmem>>, %arg9: memref<1024xf32, #tpu.memory_space<vmem>>, %arg10: memref<!tpu.dma_semaphore, #tpu.memory_space<semaphore_mem>>) attributes {dimension_semantics = [#tpu.dimension_semantics<core_parallel>, #tpu.dimension_semantics<subcore_parallel>], iteration_bounds = array<i64: 2, 16>, scalar_prefetch = 0 : i64, scratch_operands = 4 : i64, tpu.core_type = #tpu.core_type<sc_vector_subcore>, window_params = [{transform_indices = #map}, {transform_indices = #map1}, {transform_indices = #map1}, {transform_indices = #map}, {transform_indices = #map}]} {
    %mul3A = arith.constant 2 : i32
    %mul3A_0 = arith.muli %arg1, %mul3A : i32
    %add3A = arith.addi %mul3A_0, %arg0 : i32
    %mul3A_1 = arith.constant 512 : i32
    %mul3A_2 = arith.muli %add3A, %mul3A_1 : i32
    "tpu.region"() ({
      %run_scoped3A = tpu.sem_alloc : memref<!tpu.dma_semaphore, #tpu.memory_space<semaphore_mem>>
      %dma_start3A_129 = tpu.memref_slice %arg3[%mul3A_2] : memref<16384xi32, #tpu.memory_space<hbm>> -> memref<512xi32, #tpu.memory_space<hbm>>
      %dma_start3A_130 = tpu.memref_slice %arg3[%mul3A_2] : memref<16384xi32, #tpu.memory_space<hbm>> -> memref<512xi32, #tpu.memory_space<hbm>>
      tpu.enqueue_dma source(%dma_start3A_130 : memref<512xi32, #tpu.memory_space<hbm>>) target(%arg7 : memref<512xi32, #tpu.memory_space<vmem>>) target_semaphore(%run_scoped3A : memref<!tpu.dma_semaphore, #tpu.memory_space<semaphore_mem>>)
      %dma_wait3A_131 = tpu.memref_slice %arg3[%mul3A_2] : memref<16384xi32, #tpu.memory_space<hbm>> -> memref<512xi32, #tpu.memory_space<hbm>>
      %dma_wait3A_132 = tpu.memref_slice %arg3[%mul3A_2] : memref<16384xi32, #tpu.memory_space<hbm>> -> memref<512xi32, #tpu.memory_space<hbm>>
      tpu.wait_dma2 semaphore(%run_scoped3A : memref<!tpu.dma_semaphore, #tpu.memory_space<semaphore_mem>>) src(%dma_wait3A_132 : memref<512xi32, #tpu.memory_space<hbm>>) dst(%arg7 : memref<512xi32, #tpu.memory_space<vmem>>)
      tpu.yield
    }) : () -> ()
    %dma_start3A = arith.constant 0 : i32
    %dma_start3A_3 = arith.constant 0 : i32
    %dma_start3A_4 = tpu.memref_slice %arg8[%dma_start3A, %dma_start3A_3] : memref<512x128xf32, #tpu.memory_space<vmem>> -> memref<128x128xf32, #tpu.memory_space<vmem>>
    %dma_start3A_5 = arith.constant 0 : i32
    %dma_start3A_6 = tpu.memref_slice %arg7[%dma_start3A_5] : memref<512xi32, #tpu.memory_space<vmem>> -> memref<128xi32, #tpu.memory_space<vmem>>
    %dma_start3A_7 = arith.constant 0 : i32
    %dma_start3A_8 = arith.constant 0 : i32
    %dma_start3A_9 = tpu.memref_slice %arg2[%dma_start3A_7, %dma_start3A_8] : memref<1024x128xf32, #tpu.memory_space<hbm>> -> memref<1024x128xf32, #tpu.memory_space<hbm>>
    tpu.enqueue_indirect_dma source(%dma_start3A_9 : memref<1024x128xf32, #tpu.memory_space<hbm>>) target(%dma_start3A_4 : memref<128x128xf32, #tpu.memory_space<vmem>>) offsets(%dma_start3A_6 : memref<128xi32, #tpu.memory_space<vmem>>) semaphore(%arg10 : memref<!tpu.dma_semaphore, #tpu.memory_space<semaphore_mem>>)
    %dma_start3A_10 = arith.constant 128 : i32
    %dma_start3A_11 = arith.constant 0 : i32
    %dma_start3A_12 = tpu.memref_slice %arg8[%dma_start3A_10, %dma_start3A_11] : memref<512x128xf32, #tpu.memory_space<vmem>> -> memref<128x128xf32, #tpu.memory_space<vmem>>
    %dma_start3A_13 = arith.constant 128 : i32
    %dma_start3A_14 = tpu.memref_slice %arg7[%dma_start3A_13] : memref<512xi32, #tpu.memory_space<vmem>> -> memref<128xi32, #tpu.memory_space<vmem>>
    %dma_start3A_15 = arith.constant 0 : i32
    %dma_start3A_16 = arith.constant 0 : i32
    %dma_start3A_17 = tpu.memref_slice %arg2[%dma_start3A_15, %dma_start3A_16] : memref<1024x128xf32, #tpu.memory_space<hbm>> -> memref<1024x128xf32, #tpu.memory_space<hbm>>
    tpu.enqueue_indirect_dma source(%dma_start3A_17 : memref<1024x128xf32, #tpu.memory_space<hbm>>) target(%dma_start3A_12 : memref<128x128xf32, #tpu.memory_space<vmem>>) offsets(%dma_start3A_14 : memref<128xi32, #tpu.memory_space<vmem>>) semaphore(%arg10 : memref<!tpu.dma_semaphore, #tpu.memory_space<semaphore_mem>>)
    %dma_start3A_18 = arith.constant 256 : i32
    %dma_start3A_19 = arith.constant 0 : i32
    %dma_start3A_20 = tpu.memref_slice %arg8[%dma_start3A_18, %dma_start3A_19] : memref<512x128xf32, #tpu.memory_space<vmem>> -> memref<128x128xf32, #tpu.memory_space<vmem>>
    %dma_start3A_21 = arith.constant 256 : i32
    %dma_start3A_22 = tpu.memref_slice %arg7[%dma_start3A_21] : memref<512xi32, #tpu.memory_space<vmem>> -> memref<128xi32, #tpu.memory_space<vmem>>
    %dma_start3A_23 = arith.constant 0 : i32
    %dma_start3A_24 = arith.constant 0 : i32
    %dma_start3A_25 = tpu.memref_slice %arg2[%dma_start3A_23, %dma_start3A_24] : memref<1024x128xf32, #tpu.memory_space<hbm>> -> memref<1024x128xf32, #tpu.memory_space<hbm>>
    tpu.enqueue_indirect_dma source(%dma_start3A_25 : memref<1024x128xf32, #tpu.memory_space<hbm>>) target(%dma_start3A_20 : memref<128x128xf32, #tpu.memory_space<vmem>>) offsets(%dma_start3A_22 : memref<128xi32, #tpu.memory_space<vmem>>) semaphore(%arg10 : memref<!tpu.dma_semaphore, #tpu.memory_space<semaphore_mem>>)
    %dma_start3A_26 = arith.constant 384 : i32
    %dma_start3A_27 = arith.constant 0 : i32
    %dma_start3A_28 = tpu.memref_slice %arg8[%dma_start3A_26, %dma_start3A_27] : memref<512x128xf32, #tpu.memory_space<vmem>> -> memref<128x128xf32, #tpu.memory_space<vmem>>
    %dma_start3A_29 = arith.constant 384 : i32
    %dma_start3A_30 = tpu.memref_slice %arg7[%dma_start3A_29] : memref<512xi32, #tpu.memory_space<vmem>> -> memref<128xi32, #tpu.memory_space<vmem>>
    %dma_start3A_31 = arith.constant 0 : i32
    %dma_start3A_32 = arith.constant 0 : i32
    %dma_start3A_33 = tpu.memref_slice %arg2[%dma_start3A_31, %dma_start3A_32] : memref<1024x128xf32, #tpu.memory_space<hbm>> -> memref<1024x128xf32, #tpu.memory_space<hbm>>
    tpu.enqueue_indirect_dma source(%dma_start3A_33 : memref<1024x128xf32, #tpu.memory_space<hbm>>) target(%dma_start3A_28 : memref<128x128xf32, #tpu.memory_space<vmem>>) offsets(%dma_start3A_30 : memref<128xi32, #tpu.memory_space<vmem>>) semaphore(%arg10 : memref<!tpu.dma_semaphore, #tpu.memory_space<semaphore_mem>>)
    "tpu.region"() ({
      %run_scoped3A = tpu.sem_alloc : memref<!tpu.dma_semaphore, #tpu.memory_space<semaphore_mem>>
      tpu.enqueue_dma source(%arg4 : memref<1024xf32, #tpu.memory_space<hbm>>) target(%arg9 : memref<1024xf32, #tpu.memory_space<vmem>>) target_semaphore(%run_scoped3A : memref<!tpu.dma_semaphore, #tpu.memory_space<semaphore_mem>>)
      tpu.wait_dma2 semaphore(%run_scoped3A : memref<!tpu.dma_semaphore, #tpu.memory_space<semaphore_mem>>) src(%arg4 : memref<1024xf32, #tpu.memory_space<hbm>>) dst(%arg9 : memref<1024xf32, #tpu.memory_space<vmem>>)
      tpu.yield
    }) : () -> ()
    %broadcast_in_dim3A = arith.constant 1.000000e+00 : f32
    %broadcast_in_dim3A_34 = vector.broadcast %broadcast_in_dim3A : f32 to vector<16xf32>
    %get3A = arith.constant 0 : index
    %get3A_35 = tpu.vector_load %arg7[%get3A] {strides = array<i32>} : memref<512xi32, #tpu.memory_space<vmem>>, vector<16xi32>,
    tpu.vector_store_idx %arg9[%get3A_35], %broadcast_in_dim3A_34 {add = true} : memref<1024xf32, #tpu.memory_space<vmem>>[vector<16xi32>], vector<16xf32>,
    %get3A_36 = arith.constant 16 : index
    %get3A_37 = tpu.vector_load %arg7[%get3A_36] {strides = array<i32>} : memref<512xi32, #tpu.memory_space<vmem>>, vector<16xi32>,
    tpu.vector_store_idx %arg9[%get3A_37], %broadcast_in_dim3A_34 {add = true} : memref<1024xf32, #tpu.memory_space<vmem>>[vector<16xi32>], vector<16xf32>,
    %get3A_38 = arith.constant 32 : index
    %get3A_39 = tpu.vector_load %arg7[%get3A_38] {strides = array<i32>} : memref<512xi32, #tpu.memory_space<vmem>>, vector<16xi32>,
    tpu.vector_store_idx %arg9[%get3A_39], %broadcast_in_dim3A_34 {add = true} : memref<1024xf32, #tpu.memory_space<vmem>>[vector<16xi32>], vector<16xf32>,
    %get3A_40 = arith.constant 48 : index
    %get3A_41 = tpu.vector_load %arg7[%get3A_40] {strides = array<i32>} : memref<512xi32, #tpu.memory_space<vmem>>, vector<16xi32>,
    tpu.vector_store_idx %arg9[%get3A_41], %broadcast_in_dim3A_34 {add = true} : memref<1024xf32, #tpu.memory_space<vmem>>[vector<16xi32>], vector<16xf32>,
    %get3A_42 = arith.constant 64 : index
    %get3A_43 = tpu.vector_load %arg7[%get3A_42] {strides = array<i32>} : memref<512xi32, #tpu.memory_space<vmem>>, vector<16xi32>,
    tpu.vector_store_idx %arg9[%get3A_43], %broadcast_in_dim3A_34 {add = true} : memref<1024xf32, #tpu.memory_space<vmem>>[vector<16xi32>], vector<16xf32>,
    %get3A_44 = arith.constant 80 : index
    %get3A_45 = tpu.vector_load %arg7[%get3A_44] {strides = array<i32>} : memref<512xi32, #tpu.memory_space<vmem>>, vector<16xi32>,
    tpu.vector_store_idx %arg9[%get3A_45], %broadcast_in_dim3A_34 {add = true} : memref<1024xf32, #tpu.memory_space<vmem>>[vector<16xi32>], vector<16xf32>,
    %get3A_46 = arith.constant 96 : index
    %get3A_47 = tpu.vector_load %arg7[%get3A_46] {strides = array<i32>} : memref<512xi32, #tpu.memory_space<vmem>>, vector<16xi32>,
    tpu.vector_store_idx %arg9[%get3A_47], %broadcast_in_dim3A_34 {add = true} : memref<1024xf32, #tpu.memory_space<vmem>>[vector<16xi32>], vector<16xf32>,
    %get3A_48 = arith.constant 112 : index
    %get3A_49 = tpu.vector_load %arg7[%get3A_48] {strides = array<i32>} : memref<512xi32, #tpu.memory_space<vmem>>, vector<16xi32>,
    tpu.vector_store_idx %arg9[%get3A_49], %broadcast_in_dim3A_34 {add = true} : memref<1024xf32, #tpu.memory_space<vmem>>[vector<16xi32>], vector<16xf32>,
    %get3A_50 = arith.constant 128 : index
    %get3A_51 = tpu.vector_load %arg7[%get3A_50] {strides = array<i32>} : memref<512xi32, #tpu.memory_space<vmem>>, vector<16xi32>,
    tpu.vector_store_idx %arg9[%get3A_51], %broadcast_in_dim3A_34 {add = true} : memref<1024xf32, #tpu.memory_space<vmem>>[vector<16xi32>], vector<16xf32>,
    %get3A_52 = arith.constant 144 : index
    %get3A_53 = tpu.vector_load %arg7[%get3A_52] {strides = array<i32>} : memref<512xi32, #tpu.memory_space<vmem>>, vector<16xi32>,
    tpu.vector_store_idx %arg9[%get3A_53], %broadcast_in_dim3A_34 {add = true} : memref<1024xf32, #tpu.memory_space<vmem>>[vector<16xi32>], vector<16xf32>,
    %get3A_54 = arith.constant 160 : index
    %get3A_55 = tpu.vector_load %arg7[%get3A_54] {strides = array<i32>} : memref<512xi32, #tpu.memory_space<vmem>>, vector<16xi32>,
    tpu.vector_store_idx %arg9[%get3A_55], %broadcast_in_dim3A_34 {add = true} : memref<1024xf32, #tpu.memory_space<vmem>>[vector<16xi32>], vector<16xf32>,
    %get3A_56 = arith.constant 176 : index
    %get3A_57 = tpu.vector_load %arg7[%get3A_56] {strides = array<i32>} : memref<512xi32, #tpu.memory_space<vmem>>, vector<16xi32>,
    tpu.vector_store_idx %arg9[%get3A_57], %broadcast_in_dim3A_34 {add = true} : memref<1024xf32, #tpu.memory_space<vmem>>[vector<16xi32>], vector<16xf32>,
    %get3A_58 = arith.constant 192 : index
    %get3A_59 = tpu.vector_load %arg7[%get3A_58] {strides = array<i32>} : memref<512xi32, #tpu.memory_space<vmem>>, vector<16xi32>,
    tpu.vector_store_idx %arg9[%get3A_59], %broadcast_in_dim3A_34 {add = true} : memref<1024xf32, #tpu.memory_space<vmem>>[vector<16xi32>], vector<16xf32>,
    %get3A_60 = arith.constant 208 : index
    %get3A_61 = tpu.vector_load %arg7[%get3A_60] {strides = array<i32>} : memref<512xi32, #tpu.memory_space<vmem>>, vector<16xi32>,
    tpu.vector_store_idx %arg9[%get3A_61], %broadcast_in_dim3A_34 {add = true} : memref<1024xf32, #tpu.memory_space<vmem>>[vector<16xi32>], vector<16xf32>,
    %get3A_62 = arith.constant 224 : index
    %get3A_63 = tpu.vector_load %arg7[%get3A_62] {strides = array<i32>} : memref<512xi32, #tpu.memory_space<vmem>>, vector<16xi32>,
    tpu.vector_store_idx %arg9[%get3A_63], %broadcast_in_dim3A_34 {add = true} : memref<1024xf32, #tpu.memory_space<vmem>>[vector<16xi32>], vector<16xf32>,
    %get3A_64 = arith.constant 240 : index
    %get3A_65 = tpu.vector_load %arg7[%get3A_64] {strides = array<i32>} : memref<512xi32, #tpu.memory_space<vmem>>, vector<16xi32>,
    tpu.vector_store_idx %arg9[%get3A_65], %broadcast_in_dim3A_34 {add = true} : memref<1024xf32, #tpu.memory_space<vmem>>[vector<16xi32>], vector<16xf32>,
    %get3A_66 = arith.constant 256 : index
    %get3A_67 = tpu.vector_load %arg7[%get3A_66] {strides = array<i32>} : memref<512xi32, #tpu.memory_space<vmem>>, vector<16xi32>,
    tpu.vector_store_idx %arg9[%get3A_67], %broadcast_in_dim3A_34 {add = true} : memref<1024xf32, #tpu.memory_space<vmem>>[vector<16xi32>], vector<16xf32>,
    %get3A_68 = arith.constant 272 : index
    %get3A_69 = tpu.vector_load %arg7[%get3A_68] {strides = array<i32>} : memref<512xi32, #tpu.memory_space<vmem>>, vector<16xi32>,
    tpu.vector_store_idx %arg9[%get3A_69], %broadcast_in_dim3A_34 {add = true} : memref<1024xf32, #tpu.memory_space<vmem>>[vector<16xi32>], vector<16xf32>,
    %get3A_70 = arith.constant 288 : index
    %get3A_71 = tpu.vector_load %arg7[%get3A_70] {strides = array<i32>} : memref<512xi32, #tpu.memory_space<vmem>>, vector<16xi32>,
    tpu.vector_store_idx %arg9[%get3A_71], %broadcast_in_dim3A_34 {add = true} : memref<1024xf32, #tpu.memory_space<vmem>>[vector<16xi32>], vector<16xf32>,
    %get3A_72 = arith.constant 304 : index
    %get3A_73 = tpu.vector_load %arg7[%get3A_72] {strides = array<i32>} : memref<512xi32, #tpu.memory_space<vmem>>, vector<16xi32>,
    tpu.vector_store_idx %arg9[%get3A_73], %broadcast_in_dim3A_34 {add = true} : memref<1024xf32, #tpu.memory_space<vmem>>[vector<16xi32>], vector<16xf32>,
    %get3A_74 = arith.constant 320 : index
    %get3A_75 = tpu.vector_load %arg7[%get3A_74] {strides = array<i32>} : memref<512xi32, #tpu.memory_space<vmem>>, vector<16xi32>,
    tpu.vector_store_idx %arg9[%get3A_75], %broadcast_in_dim3A_34 {add = true} : memref<1024xf32, #tpu.memory_space<vmem>>[vector<16xi32>], vector<16xf32>,
    %get3A_76 = arith.constant 336 : index
    %get3A_77 = tpu.vector_load %arg7[%get3A_76] {strides = array<i32>} : memref<512xi32, #tpu.memory_space<vmem>>, vector<16xi32>,
    tpu.vector_store_idx %arg9[%get3A_77], %broadcast_in_dim3A_34 {add = true} : memref<1024xf32, #tpu.memory_space<vmem>>[vector<16xi32>], vector<16xf32>,
    %get3A_78 = arith.constant 352 : index
    %get3A_79 = tpu.vector_load %arg7[%get3A_78] {strides = array<i32>} : memref<512xi32, #tpu.memory_space<vmem>>, vector<16xi32>,
    tpu.vector_store_idx %arg9[%get3A_79], %broadcast_in_dim3A_34 {add = true} : memref<1024xf32, #tpu.memory_space<vmem>>[vector<16xi32>], vector<16xf32>,
    %get3A_80 = arith.constant 368 : index
    %get3A_81 = tpu.vector_load %arg7[%get3A_80] {strides = array<i32>} : memref<512xi32, #tpu.memory_space<vmem>>, vector<16xi32>,
    tpu.vector_store_idx %arg9[%get3A_81], %broadcast_in_dim3A_34 {add = true} : memref<1024xf32, #tpu.memory_space<vmem>>[vector<16xi32>], vector<16xf32>,
    %get3A_82 = arith.constant 384 : index
    %get3A_83 = tpu.vector_load %arg7[%get3A_82] {strides = array<i32>} : memref<512xi32, #tpu.memory_space<vmem>>, vector<16xi32>,
    tpu.vector_store_idx %arg9[%get3A_83], %broadcast_in_dim3A_34 {add = true} : memref<1024xf32, #tpu.memory_space<vmem>>[vector<16xi32>], vector<16xf32>,
    %get3A_84 = arith.constant 400 : index
    %get3A_85 = tpu.vector_load %arg7[%get3A_84] {strides = array<i32>} : memref<512xi32, #tpu.memory_space<vmem>>, vector<16xi32>,
    tpu.vector_store_idx %arg9[%get3A_85], %broadcast_in_dim3A_34 {add = true} : memref<1024xf32, #tpu.memory_space<vmem>>[vector<16xi32>], vector<16xf32>,
    %get3A_86 = arith.constant 416 : index
    %get3A_87 = tpu.vector_load %arg7[%get3A_86] {strides = array<i32>} : memref<512xi32, #tpu.memory_space<vmem>>, vector<16xi32>,
    tpu.vector_store_idx %arg9[%get3A_87], %broadcast_in_dim3A_34 {add = true} : memref<1024xf32, #tpu.memory_space<vmem>>[vector<16xi32>], vector<16xf32>,
    %get3A_88 = arith.constant 432 : index
    %get3A_89 = tpu.vector_load %arg7[%get3A_88] {strides = array<i32>} : memref<512xi32, #tpu.memory_space<vmem>>, vector<16xi32>,
    tpu.vector_store_idx %arg9[%get3A_89], %broadcast_in_dim3A_34 {add = true} : memref<1024xf32, #tpu.memory_space<vmem>>[vector<16xi32>], vector<16xf32>,
    %get3A_90 = arith.constant 448 : index
    %get3A_91 = tpu.vector_load %arg7[%get3A_90] {strides = array<i32>} : memref<512xi32, #tpu.memory_space<vmem>>, vector<16xi32>,
    tpu.vector_store_idx %arg9[%get3A_91], %broadcast_in_dim3A_34 {add = true} : memref<1024xf32, #tpu.memory_space<vmem>>[vector<16xi32>], vector<16xf32>,
    %get3A_92 = arith.constant 464 : index
    %get3A_93 = tpu.vector_load %arg7[%get3A_92] {strides = array<i32>} : memref<512xi32, #tpu.memory_space<vmem>>, vector<16xi32>,
    tpu.vector_store_idx %arg9[%get3A_93], %broadcast_in_dim3A_34 {add = true} : memref<1024xf32, #tpu.memory_space<vmem>>[vector<16xi32>], vector<16xf32>,
    %get3A_94 = arith.constant 480 : index
    %get3A_95 = tpu.vector_load %arg7[%get3A_94] {strides = array<i32>} : memref<512xi32, #tpu.memory_space<vmem>>, vector<16xi32>,
    tpu.vector_store_idx %arg9[%get3A_95], %broadcast_in_dim3A_34 {add = true} : memref<1024xf32, #tpu.memory_space<vmem>>[vector<16xi32>], vector<16xf32>,
    %get3A_96 = arith.constant 496 : index
    %get3A_97 = tpu.vector_load %arg7[%get3A_96] {strides = array<i32>} : memref<512xi32, #tpu.memory_space<vmem>>, vector<16xi32>,
    tpu.vector_store_idx %arg9[%get3A_97], %broadcast_in_dim3A_34 {add = true} : memref<1024xf32, #tpu.memory_space<vmem>>[vector<16xi32>], vector<16xf32>,
    "tpu.region"() ({
      %run_scoped3A = tpu.sem_alloc : memref<!tpu.dma_semaphore, #tpu.memory_space<semaphore_mem>>
      %dma_start3A_129 = arith.constant 0 : i32
      %dma_start3A_130 = tpu.memref_slice %arg6[%add3A, %dma_start3A_129] : memref<32x1024xf32, #tpu.memory_space<hbm>> -> memref<1x1024xf32, #tpu.memory_space<hbm>>
      %dma_start3A_131 = tpu.memref_squeeze %dma_start3A_130 : memref<1x1024xf32, #tpu.memory_space<hbm>> -> memref<1024xf32, #tpu.memory_space<hbm>>
      %dma_start3A_132 = arith.constant 0 : i32
      %dma_start3A_133 = tpu.memref_slice %arg6[%add3A, %dma_start3A_132] : memref<32x1024xf32, #tpu.memory_space<hbm>> -> memref<1x1024xf32, #tpu.memory_space<hbm>>
      %dma_start3A_134 = tpu.memref_squeeze %dma_start3A_133 : memref<1x1024xf32, #tpu.memory_space<hbm>> -> memref<1024xf32, #tpu.memory_space<hbm>>
      tpu.enqueue_dma source(%arg9 : memref<1024xf32, #tpu.memory_space<vmem>>) target(%dma_start3A_134 : memref<1024xf32, #tpu.memory_space<hbm>>) target_semaphore(%run_scoped3A : memref<!tpu.dma_semaphore, #tpu.memory_space<semaphore_mem>>)
      %dma_wait3A_135 = arith.constant 0 : i32
      %dma_wait3A_136 = tpu.memref_slice %arg6[%add3A, %dma_wait3A_135] : memref<32x1024xf32, #tpu.memory_space<hbm>> -> memref<1x1024xf32, #tpu.memory_space<hbm>>
      %dma_wait3A_137 = tpu.memref_squeeze %dma_wait3A_136 : memref<1x1024xf32, #tpu.memory_space<hbm>> -> memref<1024xf32, #tpu.memory_space<hbm>>
      %dma_wait3A_138 = arith.constant 0 : i32
      %dma_wait3A_139 = tpu.memref_slice %arg6[%add3A, %dma_wait3A_138] : memref<32x1024xf32, #tpu.memory_space<hbm>> -> memref<1x1024xf32, #tpu.memory_space<hbm>>
      %dma_wait3A_140 = tpu.memref_squeeze %dma_wait3A_139 : memref<1x1024xf32, #tpu.memory_space<hbm>> -> memref<1024xf32, #tpu.memory_space<hbm>>
      tpu.wait_dma2 semaphore(%run_scoped3A : memref<!tpu.dma_semaphore, #tpu.memory_space<semaphore_mem>>) src(%arg9 : memref<1024xf32, #tpu.memory_space<vmem>>) dst(%dma_wait3A_140 : memref<1024xf32, #tpu.memory_space<hbm>>)
      tpu.yield
    }) : () -> ()
    %dma_wait3A = arith.constant 0 : i32
    %dma_wait3A_98 = arith.constant 0 : i32
    %dma_wait3A_99 = tpu.memref_slice %arg8[%dma_wait3A, %dma_wait3A_98] : memref<512x128xf32, #tpu.memory_space<vmem>> -> memref<128x128xf32, #tpu.memory_space<vmem>>
    %dma_wait3A_100 = arith.constant 0 : i32
    %dma_wait3A_101 = tpu.memref_slice %arg7[%dma_wait3A_100] : memref<512xi32, #tpu.memory_space<vmem>> -> memref<128xi32, #tpu.memory_space<vmem>>
    %dma_wait3A_102 = arith.constant 0 : i32
    %dma_wait3A_103 = arith.constant 0 : i32
    %dma_wait3A_104 = tpu.memref_slice %arg2[%dma_wait3A_102, %dma_wait3A_103] : memref<1024x128xf32, #tpu.memory_space<hbm>> -> memref<1024x128xf32, #tpu.memory_space<hbm>>
    tpu.wait_indirect_dma semaphore(%arg10 : memref<!tpu.dma_semaphore, #tpu.memory_space<semaphore_mem>>) src(%dma_wait3A_104 : memref<1024x128xf32, #tpu.memory_space<hbm>>) dst(%dma_wait3A_99 : memref<128x128xf32, #tpu.memory_space<vmem>>)
    %dma_wait3A_105 = arith.constant 128 : i32
    %dma_wait3A_106 = arith.constant 0 : i32
    %dma_wait3A_107 = tpu.memref_slice %arg8[%dma_wait3A_105, %dma_wait3A_106] : memref<512x128xf32, #tpu.memory_space<vmem>> -> memref<128x128xf32, #tpu.memory_space<vmem>>
    %dma_wait3A_108 = arith.constant 128 : i32
    %dma_wait3A_109 = tpu.memref_slice %arg7[%dma_wait3A_108] : memref<512xi32, #tpu.memory_space<vmem>> -> memref<128xi32, #tpu.memory_space<vmem>>
    %dma_wait3A_110 = arith.constant 0 : i32
    %dma_wait3A_111 = arith.constant 0 : i32
    %dma_wait3A_112 = tpu.memref_slice %arg2[%dma_wait3A_110, %dma_wait3A_111] : memref<1024x128xf32, #tpu.memory_space<hbm>> -> memref<1024x128xf32, #tpu.memory_space<hbm>>
    tpu.wait_indirect_dma semaphore(%arg10 : memref<!tpu.dma_semaphore, #tpu.memory_space<semaphore_mem>>) src(%dma_wait3A_112 : memref<1024x128xf32, #tpu.memory_space<hbm>>) dst(%dma_wait3A_107 : memref<128x128xf32, #tpu.memory_space<vmem>>)
    %dma_wait3A_113 = arith.constant 256 : i32
    %dma_wait3A_114 = arith.constant 0 : i32
    %dma_wait3A_115 = tpu.memref_slice %arg8[%dma_wait3A_113, %dma_wait3A_114] : memref<512x128xf32, #tpu.memory_space<vmem>> -> memref<128x128xf32, #tpu.memory_space<vmem>>
    %dma_wait3A_116 = arith.constant 256 : i32
    %dma_wait3A_117 = tpu.memref_slice %arg7[%dma_wait3A_116] : memref<512xi32, #tpu.memory_space<vmem>> -> memref<128xi32, #tpu.memory_space<vmem>>
    %dma_wait3A_118 = arith.constant 0 : i32
    %dma_wait3A_119 = arith.constant 0 : i32
    %dma_wait3A_120 = tpu.memref_slice %arg2[%dma_wait3A_118, %dma_wait3A_119] : memref<1024x128xf32, #tpu.memory_space<hbm>> -> memref<1024x128xf32, #tpu.memory_space<hbm>>
    tpu.wait_indirect_dma semaphore(%arg10 : memref<!tpu.dma_semaphore, #tpu.memory_space<semaphore_mem>>) src(%dma_wait3A_120 : memref<1024x128xf32, #tpu.memory_space<hbm>>) dst(%dma_wait3A_115 : memref<128x128xf32, #tpu.memory_space<vmem>>)
    %dma_wait3A_121 = arith.constant 384 : i32
    %dma_wait3A_122 = arith.constant 0 : i32
    %dma_wait3A_123 = tpu.memref_slice %arg8[%dma_wait3A_121, %dma_wait3A_122] : memref<512x128xf32, #tpu.memory_space<vmem>> -> memref<128x128xf32, #tpu.memory_space<vmem>>
    %dma_wait3A_124 = arith.constant 384 : i32
    %dma_wait3A_125 = tpu.memref_slice %arg7[%dma_wait3A_124] : memref<512xi32, #tpu.memory_space<vmem>> -> memref<128xi32, #tpu.memory_space<vmem>>
    %dma_wait3A_126 = arith.constant 0 : i32
    %dma_wait3A_127 = arith.constant 0 : i32
    %dma_wait3A_128 = tpu.memref_slice %arg2[%dma_wait3A_126, %dma_wait3A_127] : memref<1024x128xf32, #tpu.memory_space<hbm>> -> memref<1024x128xf32, #tpu.memory_space<hbm>>
    tpu.wait_indirect_dma semaphore(%arg10 : memref<!tpu.dma_semaphore, #tpu.memory_space<semaphore_mem>>) src(%dma_wait3A_128 : memref<1024x128xf32, #tpu.memory_space<hbm>>) dst(%dma_wait3A_123 : memref<128x128xf32, #tpu.memory_space<vmem>>)
    "tpu.region"() ({
      %run_scoped3A = tpu.sem_alloc : memref<!tpu.dma_semaphore, #tpu.memory_space<semaphore_mem>>
      %dma_start3A_129 = arith.constant 0 : i32
      %dma_start3A_130 = tpu.memref_slice %arg5[%mul3A_2, %dma_start3A_129] : memref<16384x128xf32, #tpu.memory_space<hbm>> -> memref<512x128xf32, #tpu.memory_space<hbm>>
      %dma_start3A_131 = arith.constant 0 : i32
      %dma_start3A_132 = tpu.memref_slice %arg5[%mul3A_2, %dma_start3A_131] : memref<16384x128xf32, #tpu.memory_space<hbm>> -> memref<512x128xf32, #tpu.memory_space<hbm>>
      tpu.enqueue_dma source(%arg8 : memref<512x128xf32, #tpu.memory_space<vmem>>) target(%dma_start3A_132 : memref<512x128xf32, #tpu.memory_space<hbm>>) target_semaphore(%run_scoped3A : memref<!tpu.dma_semaphore, #tpu.memory_space<semaphore_mem>>)
      %dma_wait3A_133 = arith.constant 0 : i32
      %dma_wait3A_134 = tpu.memref_slice %arg5[%mul3A_2, %dma_wait3A_133] : memref<16384x128xf32, #tpu.memory_space<hbm>> -> memref<512x128xf32, #tpu.memory_space<hbm>>
      %dma_wait3A_135 = arith.constant 0 : i32
      %dma_wait3A_136 = tpu.memref_slice %arg5[%mul3A_2, %dma_wait3A_135] : memref<16384x128xf32, #tpu.memory_space<hbm>> -> memref<512x128xf32, #tpu.memory_space<hbm>>
      tpu.wait_dma2 semaphore(%run_scoped3A : memref<!tpu.dma_semaphore, #tpu.memory_space<semaphore_mem>>) src(%arg8 : memref<512x128xf32, #tpu.memory_space<vmem>>) dst(%dma_wait3A_136 : memref<512x128xf32, #tpu.memory_space<hbm>>)
      tpu.yield
    }) : () -> ()
    return
  }
}

module attributes {stable_mosaic.version = 14 : i64} {
  func.func @_tc_body(%arg0: i32, %arg1: memref<1x64x1024xf32, #tpu.memory_space<vmem>>, %arg2: memref<1024x64xf32, #tpu.memory_space<vmem>>, %arg3: memref<1x1024xf32, #tpu.memory_space<vmem>>, %arg4: memref<1024x1xf32, #tpu.memory_space<vmem>>, %arg5: memref<4x1024x256xf32, #tpu.memory_space<vmem>>, %arg6: memref<4x1024x256xf32, #tpu.memory_space<vmem>>, %arg7: memref<1x1x1024xi32, #tpu.memory_space<vmem>>, %arg8: memref<1x128xf32, #tpu.memory_space<vmem>>) attributes {dimension_semantics = [#tpu.dimension_semantics<arbitrary>], iteration_bounds = array<i64: 16>, scalar_prefetch = 0 : i64, scratch_operands = 0 : i64, tpu.core_type = #tpu.core_type<tc>, window_params = [{transform_indices = @transform_0, window_bounds = array<i64: 1, 64, 1024>}, {pipeline_mode = #tpu.pipeline_mode<synchronous>, transform_indices = @transform_1, window_bounds = array<i64: 1024, 64>}, {pipeline_mode = #tpu.pipeline_mode<synchronous>, transform_indices = @transform_2, window_bounds = array<i64: 1, 1024>}, {transform_indices = @transform_3, window_bounds = array<i64: 1024, 1>}, {transform_indices = @transform_4, window_bounds = array<i64: 4, 1024, 256>}, {transform_indices = @transform_5, window_bounds = array<i64: 4, 1024, 256>}, {transform_indices = @transform_6, window_bounds = array<i64: 1, 1, 1024>}, {pipeline_mode = #tpu.pipeline_mode<synchronous>, transform_indices = @transform_7, window_bounds = array<i64: 1, 128>}]} {
    %get3A = arith.constant 0 : index
    %get3A_0 = arith.constant 0 : index
    %get3A_1 = arith.constant 0 : index
    %get3A_2 = vector.load %arg1[%get3A, %get3A_0, %get3A_1] : memref<1x64x1024xf32, #tpu.memory_space<vmem>>, vector<1x64x1024xf32>
    %get3A_3 = vector.shape_cast %get3A_2 : vector<1x64x1024xf32> to vector<64x1024xf32>
    %transpose3A = tpu.transpose %get3A_3, [1, 0] : vector<64x1024xf32> -> vector<1024x64xf32>
    %get3A_4 = arith.constant 0 : index
    %get3A_5 = arith.constant 0 : index
    %get3A_6 = vector.load %arg2[%get3A_4, %get3A_5] : memref<1024x64xf32, #tpu.memory_space<vmem>>, vector<1024x64xf32>
    %get3A_7 = arith.constant 0 : index
    %get3A_8 = arith.constant 0 : index
    %get3A_9 = vector.load %arg4[%get3A_7, %get3A_8] : memref<1024x1xf32, #tpu.memory_space<vmem>>, vector<1024x1xf32>
    %get3A_10 = arith.constant 0 : index
    %get3A_11 = arith.constant 0 : index
    %get3A_12 = vector.load %arg3[%get3A_10, %get3A_11] : memref<1x1024xf32, #tpu.memory_space<vmem>>, vector<1x1024xf32>
    %convert_element_type3A = arith.truncf %transpose3A : vector<1024x64xf32> to vector<1024x64xbf16>
    %dot_general3A = arith.constant dense<0.000000e+00> : vector<1024x1024xf32>
    %dot_general3A_13 = tpu.matmul %convert_element_type3A, %get3A_6, %dot_general3A {dimension_numbers = #tpu.dot_dimension_numbers<[1], [1], [0], [0], [0, 0, 1, 0], [], []>, transpose_lhs_hint = false} : vector<1024x64xbf16>, vector<1024x64xf32>, vector<1024x1024xf32> -> vector<1024x1024xf32>
    %add3A = vector.broadcast %get3A_9 : vector<1024x1xf32> to vector<1024x1024xf32>
    %add3A_14 = vector.broadcast %get3A_12 : vector<1x1024xf32> to vector<1024x1024xf32>
    %add3A_15 = arith.addf %add3A, %add3A_14 : vector<1024x1024xf32>
    %mul3A = arith.constant 2.000000e+00 : f32
    %mul3A_16 = vector.broadcast %mul3A : f32 to vector<1024x1024xf32>
    %mul3A_17 = arith.mulf %mul3A_16, %dot_general3A_13 : vector<1024x1024xf32>
    %sub3A = arith.subf %add3A_15, %mul3A_17 : vector<1024x1024xf32>
    %reshape3A = vector.shape_cast %sub3A : vector<1024x1024xf32> to vector<4x1024x256xf32>
    %swap3A = arith.constant 0 : index
    %swap3A_18 = arith.constant 0 : index
    %swap3A_19 = arith.constant 0 : index
    %swap3A_20 = vector.load %arg5[%swap3A, %swap3A_18, %swap3A_19] : memref<4x1024x256xf32, #tpu.memory_space<vmem>>, vector<4x1024x256xf32>
    tpu.vector_store %arg5[%swap3A, %swap3A_18, %swap3A_19], %reshape3A {strides = array<i32>} : memref<4x1024x256xf32, #tpu.memory_space<vmem>>, vector<4x1024x256xf32>,
    %reduce_min3A = arith.constant dense<0x7F800000> : vector<1024xf32>
    %reduce_min3A_21 = vector.multi_reduction <minimumf>, %sub3A, %reduce_min3A [1] : vector<1024x1024xf32> to vector<1024xf32>
    %broadcast_in_dim3A = vector.shape_cast %reduce_min3A_21 : vector<1024xf32> to vector<1024x1xf32>
    %iota3A = tpu.iota {dimensions = array<i32: 1>} : vector<1024x1024xi32>
    %eq3A = vector.broadcast %broadcast_in_dim3A : vector<1024x1xf32> to vector<1024x1024xf32>
    %eq3A_22 = arith.cmpf oeq, %sub3A, %eq3A : vector<1024x1024xf32>
    %jit3A = arith.constant 1024 : i32
    %broadcast_in_dim3A_23 = vector.broadcast %jit3A : i32 to vector<1024x1024xi32>
    %select_n3A = arith.select %eq3A_22, %iota3A, %broadcast_in_dim3A_23 : vector<1024x1024xi1>, vector<1024x1024xi32>
    %reduce_min3A_24 = arith.constant dense<2147483647> : vector<1024xi32>
    %reduce_min3A_25 = vector.multi_reduction <minsi>, %select_n3A, %reduce_min3A_24 [1] : vector<1024x1024xi32> to vector<1024xi32>
    %broadcast_in_dim3A_26 = vector.shape_cast %reduce_min3A_25 : vector<1024xi32> to vector<1x1x1024xi32>
    %swap3A_27 = arith.constant 0 : index
    %swap3A_28 = arith.constant 0 : index
    %swap3A_29 = arith.constant 0 : index
    %swap3A_30 = vector.load %arg7[%swap3A_27, %swap3A_28, %swap3A_29] : memref<1x1x1024xi32, #tpu.memory_space<vmem>>, vector<1x1x1024xi32>
    tpu.vector_store %arg7[%swap3A_27, %swap3A_28, %swap3A_29], %broadcast_in_dim3A_26 {strides = array<i32>} : memref<1x1x1024xi32, #tpu.memory_space<vmem>>, vector<1x1x1024xi32>,
    %broadcast_in_dim3A_31 = vector.shape_cast %reduce_min3A_25 : vector<1024xi32> to vector<1024x1xi32>
    %eq3A_32 = vector.broadcast %broadcast_in_dim3A_31 : vector<1024x1xi32> to vector<1024x1024xi32>
    %eq3A_33 = arith.cmpi eq, %iota3A, %eq3A_32 : vector<1024x1024xi32>
    %convert_element_type3A_34 = arith.extui %eq3A_33 : vector<1024x1024xi1> to vector<1024x1024xi32>
    %convert_element_type3A_35 = arith.sitofp %convert_element_type3A_34 : vector<1024x1024xi32> to vector<1024x1024xf32>
    %reshape3A_36 = vector.shape_cast %convert_element_type3A_35 : vector<1024x1024xf32> to vector<4x1024x256xf32>
    %swap3A_37 = arith.constant 0 : index
    %swap3A_38 = arith.constant 0 : index
    %swap3A_39 = arith.constant 0 : index
    %swap3A_40 = vector.load %arg6[%swap3A_37, %swap3A_38, %swap3A_39] : memref<4x1024x256xf32, #tpu.memory_space<vmem>>, vector<4x1024x256xf32>
    tpu.vector_store %arg6[%swap3A_37, %swap3A_38, %swap3A_39], %reshape3A_36 {strides = array<i32>} : memref<4x1024x256xf32, #tpu.memory_space<vmem>>, vector<4x1024x256xf32>,
    %eq3A_41 = arith.constant 0 : i32
    %eq3A_42 = arith.cmpi eq, %arg0, %eq3A_41 : i32
    %convert_element_type3A_43 = arith.extui %eq3A_42 : i1 to i32
    %cond3A = arith.constant 0 : i32
    %cond3A_44 = arith.cmpi ne, %convert_element_type3A_43, %cond3A : i32
    scf.if %cond3A_44 {
      %broadcast_in_dim3A_64 = arith.constant 0.000000e+00 : f32
      %broadcast_in_dim3A_65 = vector.broadcast %broadcast_in_dim3A_64 : f32 to vector<1x128xf32>
      %swap3A_66 = arith.constant 0 : index
      %swap3A_67 = arith.constant 0 : index
      %swap3A_68 = vector.load %arg8[%swap3A_66, %swap3A_67] : memref<1x128xf32, #tpu.memory_space<vmem>>, vector<1x128xf32>
      tpu.vector_store %arg8[%swap3A_66, %swap3A_67], %broadcast_in_dim3A_65 {strides = array<i32>} : memref<1x128xf32, #tpu.memory_space<vmem>>, vector<1x128xf32>,
    } else {
    }
    %reduce_sum3A = vector.shape_cast %broadcast_in_dim3A : vector<1024x1xf32> to vector<1x1024x1xf32>
    %reduce_sum3A_45 = arith.constant dense<0.000000e+00> : vector<1xf32>
    %reduce_sum3A_46 = vector.multi_reduction <add>, %reduce_sum3A, %reduce_sum3A_45 [1, 2] : vector<1x1024x1xf32> to vector<1xf32>
    %reduce_sum3A_47 = vector.shape_cast %reduce_sum3A_46 : vector<1xf32> to vector<1x1x1xf32>
    %reduce_sum3A_48 = vector.extract %reduce_sum3A_47[0, 0, 0] : f32 from vector<1x1x1xf32>
    %iota3A_49 = tpu.iota {dimensions = array<i32: 1>} : vector<1x128xi32>
    %get3A_50 = arith.constant 0 : index
    %get3A_51 = arith.constant 0 : index
    %get3A_52 = vector.load %arg8[%get3A_50, %get3A_51] : memref<1x128xf32, #tpu.memory_space<vmem>>, vector<1x128xf32>
    %eq3A_53 = arith.constant 0 : i32
    %eq3A_54 = vector.broadcast %eq3A_53 : i32 to vector<1x128xi32>
    %eq3A_55 = arith.cmpi eq, %iota3A_49, %eq3A_54 : vector<1x128xi32>
    %jit3A_56 = arith.constant 0.000000e+00 : f32
    %broadcast_in_dim3A_57 = vector.broadcast %reduce_sum3A_48 : f32 to vector<1x128xf32>
    %broadcast_in_dim3A_58 = vector.broadcast %jit3A_56 : f32 to vector<1x128xf32>
    %select_n3A_59 = arith.select %eq3A_55, %broadcast_in_dim3A_57, %broadcast_in_dim3A_58 : vector<1x128xi1>, vector<1x128xf32>
    %add3A_60 = arith.addf %get3A_52, %select_n3A_59 : vector<1x128xf32>
    %swap3A_61 = arith.constant 0 : index
    %swap3A_62 = arith.constant 0 : index
    %swap3A_63 = vector.load %arg8[%swap3A_61, %swap3A_62] : memref<1x128xf32, #tpu.memory_space<vmem>>, vector<1x128xf32>
    tpu.vector_store %arg8[%swap3A_61, %swap3A_62], %add3A_60 {strides = array<i32>} : memref<1x128xf32, #tpu.memory_space<vmem>>, vector<1x128xf32>,
    return
  }
  func.func @transform_0(%arg0: i32) -> (i32, i32, i32) {
    %c0_i32 = arith.constant 0 : i32
    %c0_i32_0 = arith.constant 0 : i32
    %c0_i32_1 = arith.constant 0 : i32
    return %arg0, %c0_i32, %c0_i32_0 : i32, i32, i32
  }
  func.func @transform_1(%arg0: i32) -> (i32, i32) {
    %c0_i32 = arith.constant 0 : i32
    %c0_i32_0 = arith.constant 0 : i32
    %c0_i32_1 = arith.constant 0 : i32
    return %c0_i32, %c0_i32_0 : i32, i32
  }
  func.func @transform_2(%arg0: i32) -> (i32, i32) {
    %c0_i32 = arith.constant 0 : i32
    %c0_i32_0 = arith.constant 0 : i32
    %c0_i32_1 = arith.constant 0 : i32
    return %c0_i32, %c0_i32_0 : i32, i32
  }
  func.func @transform_3(%arg0: i32) -> (i32, i32) {
    %c0_i32 = arith.constant 0 : i32
    %c0_i32_0 = arith.constant 0 : i32
    return %arg0, %c0_i32 : i32, i32
  }
  func.func @transform_4(%arg0: i32) -> (i32, i32, i32) {
    %c0_i32 = arith.constant 0 : i32
    %c0_i32_0 = arith.constant 0 : i32
    %c0_i32_1 = arith.constant 0 : i32
    return %arg0, %c0_i32, %c0_i32_0 : i32, i32, i32
  }
  func.func @transform_5(%arg0: i32) -> (i32, i32, i32) {
    %c0_i32 = arith.constant 0 : i32
    %c0_i32_0 = arith.constant 0 : i32
    %c0_i32_1 = arith.constant 0 : i32
    return %arg0, %c0_i32, %c0_i32_0 : i32, i32, i32
  }
  func.func @transform_6(%arg0: i32) -> (i32, i32, i32) {
    %c0_i32 = arith.constant 0 : i32
    %c0_i32_0 = arith.constant 0 : i32
    %c0_i32_1 = arith.constant 0 : i32
    return %arg0, %c0_i32, %c0_i32_0 : i32, i32, i32
  }
  func.func @transform_7(%arg0: i32) -> (i32, i32) {
    %c0_i32 = arith.constant 0 : i32
    %c0_i32_0 = arith.constant 0 : i32
    %c0_i32_1 = arith.constant 0 : i32
    return %c0_i32, %c0_i32_0 : i32, i32
  }
}

</mosaic_0001>

<sc_bundles>
// kernel: kernel.4.cloned.1.call-start
scs
__scs_entry_jumppad:
0x0: {  	(pc) =	sbr.rel $0x88, $3  }
0x1: {  	(tag) =	ssettag $0x0;
	lr =	simm.s32 $0x1  }
0x2: {  	[smem:$0x3F9F] =	sst lr;
	_ =	strace $0xD0000000  }
0x3: {  	_ = 	snop  }
0x4: {  	_ = 	snop  }
0x5: {  	_ = 	snop  }
0x6: {  	_ = 	snop  }
0x7: {  	_ = 	snop  }
__scs_overlays_trampoline_lowered:
0x8: {  	[smem:$0x3FAE] =	sst s0  }
0x9: {  	[smem:$0x3FAF] =	sst s1  }
0xa: {  	[smem:$0x3FB0] =	sst s2  }
0xb: {  	[smem:$0x3FB1] =	sst s3  }
0xc: {  	[smem:$0x3FB2] =	sst s4  }
0xd: {  	[smem:$0x3FB3] =	sst s5  }
0xe: {  	[smem:$0x3FB4] =	sst s6  }
0xf: {  	[smem:$0x3FB5] =	sst s7  }
0x10: {  	[smem:$0x3FB6] =	sst s8  }
0x11: {  	[smem:$0x3FB7] =	sst s9;
	s0 =	simm.s32 @!p0 $0x0  }
0x12: {  	s1 =	sld [smem:$0x3F9D];
	s0 =	simm.s32 @p0 $0x1  }
0x13: {  	[smem:$0x3FB8] =	sst s0;
	s0 =	simm.s32 @!p1 $0x0  }
0x14: {  	s2 =	sld [smem:$0x3F9C];
	s0 =	simm.s32 @p1 $0x1  }
0x15: {  	[smem:$0x3FB9] =	sst s0;
	s0 =	simm.s32 @!p2 $0x0  }
0x16: {  	s3 =	sld [smem:$0x3FDB];
	s0 =	simm.s32 @p2 $0x1  }
0x17: {  	s4 =	simm.s32 $0x1BF5;
	[smem:$0x3FBB] =	sst s0  }
0x18: {  	s0 =	sld [smem:$0x3F9E];
	_ =	swait.ge [sflag:s4], $0x0  }
0x19: {  	s7 =	sld [smem:$0x3F9F]  }
0x1a: {  	s8 =	sadd.s32 $0xFFFFE003, lr  }
0x1b: {  	s9 =	sadd.s32 $0xFFFFFEF7, lr;
	s5 =	simm.s32 $0xFFFFFFFF;
	p2 =	slt.u32 s8, $0xFFFFF086  }
0x1c: {  	p1 =	slt.u32 s9, $0xF7A;
	s5 =	simm.s32 @!p2 $0x0  }
0x1d: {  	s5 =	simm.s32 @p1 $0x1;
	p0 =	seq.s32 s7, s2  }
0x1e: {  	s7 =	smul.u32 @!p0 $0xF7A, s2;
	p2 =	seq.s32 @!p0 s5, $0x0  }
0x1f: {  	s9 =	smul.u32 $0xF7A, s1;
	s8 =	simm.s32 @!p0 $0x1BF5;
	p2 =	por !p2, p0  }
0x20: {  	[sflag:s8] =	ssyncset.s32 @!p0 $0xFFFFF086;
	s6 =	sadd.s32 @!p0 s3, s7;
	s7 =	simm.s32 @!p0 $0x108  }
0x21: {  	s3 =	sadd.s32 s3, s9;
	s6 =	sadd.s32 @!p0 $0x88, s6;
	s7 =	simm.s32 @p2 $0x1082  }
0x22: {  	[simem:s7], [sflag:s8] =	dma.local @!p0 [hbm:s6], $0xF7A  }
0x23: {  	s9 =	sor.u32 $0xD0000000, s2;
	s6 =	simm.s32 $0x108;
	_ =	swait.ge @!p0 [sflag:s8], $0x0  }
0x24: {  	s3 =	sadd.s32 $0x88, s3;
	s6 =	simm.s32 @!p1 $0x1082;
	[sflag:s4] =	ssyncset.s32 $0xFFFFF086  }
0x25: {  	[simem:s6], [sflag:s4] =	dma.local [hbm:s3], $0xF7A  }
0x26: {  	[smem:$0x3F9F] =	sst s1;
	(tag) =	ssettag s2;
	_ =	strace s9  }
0x27: {  	s1 =	sld [smem:$0x3FAF]  }
0x28: {  	s2 =	sld [smem:$0x3FB0]  }
0x29: {  	s4 =	sld [smem:$0x3FB2]  }
0x2a: {  	p0 =	seq.s32 s5, $0x0;
	s5 =	sld [smem:$0x3FB3]  }
0x2b: {  	s6 =	sld [smem:$0x3FB4]  }
0x2c: {  	s7 =	sld [smem:$0x3FB5]  }
0x2d: {  	s3 =	simm.s32 $0x108;
	s8 =	sld [smem:$0x3FB6]  }
0x2e: {  	s3 =	simm.s32 @!p0 $0x1082;
	s9 =	sld [smem:$0x3FB7]  }
0x2f: {  	lr =	sadd.s32 s0, s3;
	s0 =	sld [smem:$0x3FAE]  }
0x30: {  	s3 =	sld [smem:$0x3FB1]  }
0x31: {  	[smem:$0x3FBA] =	sst s10  }
0x32: {  	s10 =	sld [smem:$0x3FB8];
	_ =	sdelay $0x3  }
0x33: {  	p0 =	seq.s32 s10, $0x1;
	s10 =	sld [smem:$0x3FBA];
	_ =	sdelay $0x3  }
0x34: {  	[smem:$0x3FBA] =	sst s10  }
0x35: {  	s10 =	sld [smem:$0x3FB9];
	_ =	sdelay $0x3  }
0x36: {  	p1 =	seq.s32 s10, $0x1;
	s10 =	sld [smem:$0x3FBA];
	_ =	sdelay $0x3  }
0x37: {  	[smem:$0x3FBA] =	sst s10  }
0x38: {  	s10 =	sld [smem:$0x3FBB]  }
0x39: {  	_ = 	snop;
	(pc) =	sbr.ind lr, $3  }
0x3a: {  	_ = 	snop  }
0x3b: {  	_ = 	snop  }
0x3c: {  	p2 =	seq.s32 s10, $0x1;
	s10 =	sld [smem:$0x3FBA]  }
0x3d: {  	_ =	shalt  }
0x3e: {  	_ =	shalt  }
0x3f: {  	_ =	shalt  }
0x40: {  	_ =	shalt  }
0x41: {  	_ =	shalt  }
0x42: {  	_ =	shalt  }
0x43: {  	_ =	shalt  }
0x44: {  	_ =	shalt  }
0x45: {  	_ =	shalt  }
0x46: {  	_ =	shalt  }
0x47: {  	_ =	shalt  }
0x48: {  	_ =	shalt  }
0x49: {  	_ =	shalt  }
0x4a: {  	_ =	shalt  }
0x4b: {  	_ =	shalt  }
0x4c: {  	_ =	shalt  }
0x4d: {  	_ =	shalt  }
0x4e: {  	_ =	shalt  }
0x4f: {  	_ =	shalt  }
0x50: {  	_ =	shalt  }
0x51: {  	_ =	shalt  }
0x52: {  	_ =	shalt  }
0x53: {  	_ =	shalt  }
0x54: {  	_ =	shalt  }
0x55: {  	_ =	shalt  }
0x56: {  	_ =	shalt  }
0x57: {  	_ =	shalt  }
0x58: {  	_ =	shalt  }
0x59: {  	_ =	shalt  }
0x5a: {  	_ =	shalt  }
0x5b: {  	_ =	shalt  }
0x5c: {  	_ =	shalt  }
0x5d: {  	_ =	shalt  }
0x5e: {  	_ =	shalt  }
0x5f: {  	_ =	shalt  }
0x60: {  	_ =	shalt  }
0x61: {  	_ =	shalt  }
0x62: {  	_ =	shalt  }
0x63: {  	_ =	shalt  }
0x64: {  	_ =	shalt  }
0x65: {  	_ =	shalt  }
0x66: {  	_ =	shalt  }
0x67: {  	_ =	shalt  }
0x68: {  	_ =	shalt  }
0x69: {  	_ =	shalt  }
0x6a: {  	_ =	shalt  }
0x6b: {  	_ =	shalt  }
0x6c: {  	_ =	shalt  }
0x6d: {  	_ =	shalt  }
0x6e: {  	_ =	shalt  }
0x6f: {  	_ =	shalt  }
0x70: {  	_ =	shalt  }
0x71: {  	_ =	shalt  }
0x72: {  	_ =	shalt  }
0x73: {  	_ =	shalt  }
0x74: {  	_ =	shalt  }
0x75: {  	_ =	shalt  }
0x76: {  	_ =	shalt  }
0x77: {  	_ =	shalt  }
0x78: {  	_ =	shalt  }
0x79: {  	_ =	shalt  }
0x7a: {  	_ =	shalt  }
0x7b: {  	_ =	shalt  }
0x7c: {  	_ =	shalt  }
0x7d: {  	_ =	shalt  }
0x7e: {  	_ =	shalt  }
0x7f: {  	_ =	shalt  }
0x80: {  	_ =	shalt  }
0x81: {  	_ =	shalt  }
0x82: {  	_ =	shalt  }
0x83: {  	_ =	shalt  }
0x84: {  	_ =	shalt  }
0x85: {  	_ =	shalt  }
0x86: {  	_ =	shalt  }
0x87: {  	_ =	shalt  }
.Lfunc_end0:
.L_simem_size_0:
called_computation_lowered:
.L_overlay_start_0:
0x88: {  	s2 =	sld [smem:$0x3FD9]  }
0x89: {  	s3 =	sld [smem:$0x3FFE];
	_ =	sdelay $0x1  }
0x8a: {  	s1 =	srdreg.scid  }
0x8b: {  	s0 =	sand.u32 $0x1, s1  }
0x8c: {  	s14 =	sshll.u32 s0, $0xA;
	s2 =	sadd.s32 s3, s2  }
0x8d: {  	s2 =	sadd.s32 s2, s14  }
0x8e: {  	[smem:$0x3FC6] =	sst s2  }
0x8f: {  	_ = 	snop  }
0x90: {  	s2 =	sld [smem:$0x3FD0];
	_ =	sdelay $0x2  }
0x91: {  	s15 =	simm.s32 $0xA;
	s4 =	simm.s32 $0x10  }
0x92: {  	[smem:s4], [sflag:s15] =	dma.local [hbm:s2], $0x1  }
0x93: {  	_ =	swait.eq [sflag:s15], $0x1  }
0x94: {  	[sflag:s15] =	ssyncset.done $0x0  }
0x95: {  	s16 =	sld [smem:$0x11];
	[sflag:s15] =	ssyncadd.s32 $0xFFFFFFFF  }
0x96: {  	s17 =	sld [smem:$0x15];
	(tm) =	ssettm $0x1  }
0x97: {  	s18 =	sld [smem:$0x3FFB];
	_ =	sdelay $0x3  }
0x98: {  	_ =	strace s18  }
0x99: {  	s4 =	sld [smem:$0x3FFC];
	_ =	sdelay $0x3  }
0x9a: {  	_ =	strace s4  }
0x9b: {  	s4 =	sld [smem:$0x3FFD];
	_ =	sdelay $0x3  }
0x9c: {  	_ =	strace s4  }
0x9d: {  	_ =	strace $0x8FFFFFFF  }
0x9e: {  	s19 =	sld [smem:$0x3FDB];
	_ =	sdelay $0x1  }
0x9f: {  	s5 =	simm.s32 $_scs_section_size  }
0xa0: {  	s6 =	simm.s32 $_size__tile_overlayer_lowered;
	s7 =	simm.s32 $_tile_overlayer_lowered  }
0xa1: {  	s22 =	simm.s32 $0x1BFF;
	s21 =	sshll.u32 s7, $0x1;
	s4 =	sadd.s32 s5, s19  }
0xa2: {  	s8 =	simm.s32 $0x0;
	s20 =	sshll.u32 s6, $0x1;
	s6 =	sadd.s32 s21, s4  }
0xa3: {  	[timem:s8], [sflag:s22] =	dma.local [hbm:s6], s20  }
0xa4: {  	_ =	swait.ge [sflag:s22], s20  }
0xa5: {  	s5 =	ssub.s32 $0x0, s20;
	[sflag:s22] =	ssyncset.done $0x0  }
0xa6: {  	[sflag:s22] =	ssyncadd.s32 s5;
	_ =	sdelay $0x1  }
0xa7: {  	s23 =	simm.s32 $0x1B8B  }
0xa8: {  	_ =	swait.ge [sflag:s23], $0x1  }
0xa9: {  	[sflag:s23] =	ssyncset.done $0x0  }
0xaa: {  	s25 =	simm.s32 $0x1B8E;
	s24 =	sld [smem:$0x3FFE];
	[sflag:s23] =	ssyncadd.s32 $0xFFFFFFFF  }
0xab: {  	s26 =	simm.s32 $execute0_lowered;
	[smem:$0x3FD2] =	sst s25  }
0xac: {  	s6 =	sshll.u32 s26, $0x1;
	_ =	strace $0x80000046;
	[dreg:$0x1] =	wrdreg $0xFFFFFFFF  }
0xad: {  	s28 =	simm.s32 $_size_execute0_lowered;
	s4 =	sadd.s32 s4, s6;
	[dreg:$0x0] =	wrdreg $0x0  }
0xae: {  	s6 =	sshll.u32 s28, $0x1;
	[dreg:$0x2] =	wrdreg s4  }
0xaf: {  	[dreg:$0x3] =	wrdreg s6  }
0xb0: {  	[dreg:$0x4] =	wrdreg $0xC0  }
0xb1: {  	_ =	task [dreg:s8], $0x5FFFF  }
0xb2: {  	[dreg:$0x1] =	wrdreg $0xFFFFFFFF  }
0xb3: {  	[dreg:$0x0] =	wrdreg $0x60  }
0xb4: {  	[dreg:$0x2] =	wrdreg s16  }
0xb5: {  	[dreg:$0x3] =	wrdreg s17  }
0xb6: {  	[dreg:$0x4] =	wrdreg s24  }
0xb7: {  	[dreg:$0x5] =	wrdreg $0x9  }
0xb8: {  	_ =	task.clear_ibuf [dreg:s8], $0x6FFFF;
	_ =	strace $0x90000046  }
0xb9: {  	s29 =	simm.s32 $0x9;
	_ =	strace $0x80000048  }
0xba: {  	_ =	swait.ge [sflag:s29], $0x1  }
0xbb: {  	[sflag:s29] =	ssyncadd.s32 $0xFFFFFFFF  }
0xbc: {  	_ =	strace $0x90000048  }
0xbd: {  	_ =	sfence  }
0xbe: {  	s30 =	sld [smem:$0x0];
	_ =	sdelay $0x2  }
0xbf: {  	s31 =	sshll.u32 s1, $0xD;
	s1 =	sshrl.u32 s1, $0x2  }
0xc0: {  	s3 =	sand.u32 $0x4000, s31;
	s1 =	sadd.s32 s1, s30  }
0xc1: {  	s0 =	sor.u32 s3, s0;
	s1 =	sshll.u32 s1, $0x11  }
0xc2: {  	s0 =	sor.u32 s1, s0  }
0xc3: {  	s0 =	sadd.s32 $0x8F2B, s0  }
0xc4: {  	[sflag:s0] =	ssyncadd.remote.s32 $0x1  }
0xc5: {  	_ =	sfence.sel $0xFFFF  }
0xc6: {  	[dreg:$0x0] =	wrdreg $0xFFFFFFFF;
	(pc) =	sbr.abs _section_cstart, $3  }
0xc7: {  	[dreg:$0x1] =	wrdreg $0xFFFFFFFF  }
0xc8: {  	_ =	task.clear_ibuf [dreg:s8], $0x2FFFF;
	_ =	strace $0x9FFFFFFF  }
0xc9: {  	(tm) =	ssettm $0x7FFFFFFF  }
tec
execute0_lowered:
.L_overlay_start_1:
0x0: {  	(tag) =	ssettag $0x1  }
0x1: {  	s1 =	rddreg [dreg:$0x0]  }
0x2: {  	s5 =	rddreg [dreg:$0x1];
	s2 =	srdreg.scid  }
0x3: {  	s0 =	stileid.u32;
	s3 =	rddreg [dreg:$0x2];
	s4 =	simm.s32 $0x0  }
0x4: {  	s12 =	simm.s32 $0x4200;
	s13 =	simm.s32 $0x100;
	s14 =	simm.s32 $0x8200  }
0x5: {  	s15 =	simm.s32 $0x180;
	s16 =	simm.s32 $0xC200;
	s17 =	simm.s32 $0x10200  }
0x6: {  	s18 =	simm.s32 $0x400;
	s6 =	sand.u32 $0x1, s2;
	s2 =	rddreg [dreg:$0x3]  }
0x7: {  	s19 =	simm.s32 $0x1;
	s7 =	sshll.u32 s0, $0x1;
	[smem:$0x7FF] =	sst s4  }
0x8: {  	s9 =	sshll.u32 s0, $0x8;
	s7 =	sor.u32 s6, s7;
	_ =	strace $0x80000047  }
0x9: {  	s9 =	sand.u32 $0xC00, s9;
	s6 =	ssub.s32 $0x2, s6;
	s8 =	sshll.u32 s7, $0xD  }
0xa: {  	s10 =	sshll.u32 s7, $0x4;
	s9 =	sadd.s32 s9, s3;
	s11 =	sshrl.u32 s6, $0x1  }
0xb: {  	s30 =	sshll.u32 s7, $0x6;
	s8 =	sadd.s32 s8, s3;
	s10 =	sand.u32 $0x70, s10  }
0xc: {  	s11 =	ssub.s32 s6, s11;
	s5 =	sadd.s32 s5, s30;
	s31 =	sadd.s32 s10, s9  }
0xd: {  	s7 =	sadd.s32 $0x200, s8;
	s8 =	smax.u32 s11, $0x1;
	s9 =	simm.s32 $0x2  }
0xe: {  	v0 =	vimm.f32 $1.000000000e+00;
	s10 =	simm.s32 $0x80;
	s11 =	simm.s32 $0x200;
	s6 =	sadd.s32 $0x40200, s31  }
.LBB2_1:
0xf: {  	[tilespmem:s4], [sflag:$0x2] =	stream.linear.gather [hbm4b:s5+s4], $0x200, $0x38;
	[tilespmem:$0x10600] =	vst v63  }
0x10: {  	_ =	swait.ge [sflag:s9], $0x200  }
0x11: {  	[sflag:s9] =	ssyncset.done $0x0  }
0x12: {  	[sflag:s9] =	ssyncadd.s32 $0xFFFFFE00  }
0x13: {  	[tilespmem:s11], [sflag:$0x1] =	stream.indirect.gather [hbm4b:s1+s10], $0x80, s4, s10, $0xb8;
	[tilespmem:$0x10600] =	vst v63  }
0x14: {  	_ = 	snop  }
0x15: {  	[tilespmem:s12], [sflag:$0x1] =	stream.indirect.gather [hbm4b:s1+s10], $0x80, s10, s10, $0xb8;
	[tilespmem:$0x10600] =	vst v63  }
0x16: {  	_ = 	snop  }
0x17: {  	[tilespmem:s14], [sflag:$0x1] =	stream.indirect.gather [hbm4b:s1+s10], $0x80, s13, s10, $0xb8;
	[tilespmem:$0x10600] =	vst v63  }
0x18: {  	_ = 	snop  }
0x19: {  	[tilespmem:s16], [sflag:$0x1] =	stream.indirect.gather [hbm4b:s1+s10], $0x80, s15, s10, $0xb8;
	[tilespmem:$0x10600] =	vst v63  }
0x1a: {  	_ = 	snop  }
0x1b: {  	[tilespmem:s17], [sflag:$0x2] =	stream.linear.gather [hbm4b:s3+s4], $0x400, $0x38;
	[tilespmem:$0x10600] =	vst v63  }
0x1c: {  	_ =	swait.ge [sflag:s9], $0x400  }
0x1d: {  	[sflag:s9] =	ssyncset.done $0x0  }
0x1e: {  	[sflag:s9] =	ssyncadd.s32 $0xFFFFFC00  }
0x1f: {  	v1 =	vld [tilespmem:$0x0];
	_ =	sdelay $0x7  }
0x20: {  	[tilespmem:v1+s17+$0x0] =	vst.idx.add.f32.msk $0xffff, v0  }
0x21: {  	v1 =	vld [tilespmem:$0x10];
	_ =	sdelay $0x7  }
0x22: {  	[tilespmem:v1+s17+$0x0] =	vst.idx.add.f32.msk $0xffff, v0  }
0x23: {  	v1 =	vld [tilespmem:$0x20];
	_ =	sdelay $0x7  }
0x24: {  	[tilespmem:v1+s17+$0x0] =	vst.idx.add.f32.msk $0xffff, v0  }
0x25: {  	v1 =	vld [tilespmem:$0x30];
	_ =	sdelay $0x7  }
0x26: {  	[tilespmem:v1+s17+$0x0] =	vst.idx.add.f32.msk $0xffff, v0  }
0x27: {  	v1 =	vld [tilespmem:$0x40];
	_ =	sdelay $0x7  }
0x28: {  	[tilespmem:v1+s17+$0x0] =	vst.idx.add.f32.msk $0xffff, v0  }
0x29: {  	v1 =	vld [tilespmem:$0x50];
	_ =	sdelay $0x7  }
0x2a: {  	[tilespmem:v1+s17+$0x0] =	vst.idx.add.f32.msk $0xffff, v0  }
0x2b: {  	v1 =	vld [tilespmem:$0x60];
	_ =	sdelay $0x7  }
0x2c: {  	[tilespmem:v1+s17+$0x0] =	vst.idx.add.f32.msk $0xffff, v0  }
0x2d: {  	v1 =	vld [tilespmem:$0x70];
	_ =	sdelay $0x7  }
0x2e: {  	[tilespmem:v1+s17+$0x0] =	vst.idx.add.f32.msk $0xffff, v0  }
0x2f: {  	v1 =	vld [tilespmem:$0x80];
	_ =	sdelay $0x7  }
0x30: {  	[tilespmem:v1+s17+$0x0] =	vst.idx.add.f32.msk $0xffff, v0  }
0x31: {  	v1 =	vld [tilespmem:$0x90];
	_ =	sdelay $0x7  }
0x32: {  	[tilespmem:v1+s17+$0x0] =	vst.idx.add.f32.msk $0xffff, v0  }
0x33: {  	v1 =	vld [tilespmem:$0xA0];
	_ =	sdelay $0x7  }
0x34: {  	[tilespmem:v1+s17+$0x0] =	vst.idx.add.f32.msk $0xffff, v0  }
0x35: {  	v1 =	vld [tilespmem:$0xB0];
	_ =	sdelay $0x7  }
0x36: {  	[tilespmem:v1+s17+$0x0] =	vst.idx.add.f32.msk $0xffff, v0  }
0x37: {  	v1 =	vld [tilespmem:$0xC0];
	_ =	sdelay $0x7  }
0x38: {  	[tilespmem:v1+s17+$0x0] =	vst.idx.add.f32.msk $0xffff, v0  }
0x39: {  	v1 =	vld [tilespmem:$0xD0];
	_ =	sdelay $0x7  }
0x3a: {  	[tilespmem:v1+s17+$0x0] =	vst.idx.add.f32.msk $0xffff, v0  }
0x3b: {  	v1 =	vld [tilespmem:$0xE0];
	_ =	sdelay $0x7  }
0x3c: {  	[tilespmem:v1+s17+$0x0] =	vst.idx.add.f32.msk $0xffff, v0  }
0x3d: {  	v1 =	vld [tilespmem:$0xF0];
	_ =	sdelay $0x7  }
0x3e: {  	[tilespmem:v1+s17+$0x0] =	vst.idx.add.f32.msk $0xffff, v0  }
0x3f: {  	v1 =	vld [tilespmem:$0x100];
	_ =	sdelay $0x7  }
0x40: {  	[tilespmem:v1+s17+$0x0] =	vst.idx.add.f32.msk $0xffff, v0  }
0x41: {  	v1 =	vld [tilespmem:$0x110];
	_ =	sdelay $0x7  }
0x42: {  	[tilespmem:v1+s17+$0x0] =	vst.idx.add.f32.msk $0xffff, v0  }
0x43: {  	v1 =	vld [tilespmem:$0x120];
	_ =	sdelay $0x7  }
0x44: {  	[tilespmem:v1+s17+$0x0] =	vst.idx.add.f32.msk $0xffff, v0  }
0x45: {  	v1 =	vld [tilespmem:$0x130];
	_ =	sdelay $0x7  }
0x46: {  	[tilespmem:v1+s17+$0x0] =	vst.idx.add.f32.msk $0xffff, v0  }
0x47: {  	v1 =	vld [tilespmem:$0x140];
	_ =	sdelay $0x7  }
0x48: {  	[tilespmem:v1+s17+$0x0] =	vst.idx.add.f32.msk $0xffff, v0  }
0x49: {  	v1 =	vld [tilespmem:$0x150];
	_ =	sdelay $0x7  }
0x4a: {  	[tilespmem:v1+s17+$0x0] =	vst.idx.add.f32.msk $0xffff, v0  }
0x4b: {  	v1 =	vld [tilespmem:$0x160];
	_ =	sdelay $0x7  }
0x4c: {  	[tilespmem:v1+s17+$0x0] =	vst.idx.add.f32.msk $0xffff, v0  }
0x4d: {  	v1 =	vld [tilespmem:$0x170];
	_ =	sdelay $0x7  }
0x4e: {  	[tilespmem:v1+s17+$0x0] =	vst.idx.add.f32.msk $0xffff, v0  }
0x4f: {  	v1 =	vld [tilespmem:$0x180];
	_ =	sdelay $0x7  }
0x50: {  	[tilespmem:v1+s17+$0x0] =	vst.idx.add.f32.msk $0xffff, v0  }
0x51: {  	v1 =	vld [tilespmem:$0x190];
	_ =	sdelay $0x7  }
0x52: {  	[tilespmem:v1+s17+$0x0] =	vst.idx.add.f32.msk $0xffff, v0  }
0x53: {  	v1 =	vld [tilespmem:$0x1A0];
	_ =	sdelay $0x7  }
0x54: {  	[tilespmem:v1+s17+$0x0] =	vst.idx.add.f32.msk $0xffff, v0  }
0x55: {  	v1 =	vld [tilespmem:$0x1B0];
	_ =	sdelay $0x7  }
0x56: {  	[tilespmem:v1+s17+$0x0] =	vst.idx.add.f32.msk $0xffff, v0  }
0x57: {  	v1 =	vld [tilespmem:$0x1C0];
	_ =	sdelay $0x7  }
0x58: {  	[tilespmem:v1+s17+$0x0] =	vst.idx.add.f32.msk $0xffff, v0  }
0x59: {  	v1 =	vld [tilespmem:$0x1D0];
	_ =	sdelay $0x7  }
0x5a: {  	[tilespmem:v1+s17+$0x0] =	vst.idx.add.f32.msk $0xffff, v0  }
0x5b: {  	v1 =	vld [tilespmem:$0x1E0];
	_ =	sdelay $0x7  }
0x5c: {  	[tilespmem:v1+s17+$0x0] =	vst.idx.add.f32.msk $0xffff, v0  }
0x5d: {  	v1 =	vld [tilespmem:$0x1F0];
	_ =	sdelay $0x7  }
0x5e: {  	[tilespmem:v1+s17+$0x0] =	vst.idx.add.f32.msk $0xffff, v0  }
0x5f: {  	[hbm4b:s6+s10] =	stream.strided.scatter [tilespmem:s17], [sflag:$0x2], $0x400, s18, s10, $0x38;
	[tilespmem:$0x10600] =	vst v63  }
0x60: {  	_ =	swait.ge [sflag:s9], $0x400  }
0x61: {  	[sflag:s9] =	ssyncset.done $0x0  }
0x62: {  	[sflag:s9] =	ssyncadd.s32 $0xFFFFFC00  }
0x63: {  	_ =	swait.ge [sflag:s19], $0x4000  }
0x64: {  	[sflag:s19] =	ssyncset.done $0x0  }
0x65: {  	[sflag:s19] =	ssyncadd.s32 $0xFFFFC000  }
0x66: {  	_ =	swait.ge [sflag:s19], $0x4000  }
0x67: {  	[sflag:s19] =	ssyncset.done $0x0  }
0x68: {  	[sflag:s19] =	ssyncadd.s32 $0xFFFFC000  }
0x69: {  	_ =	swait.ge [sflag:s19], $0x4000  }
0x6a: {  	[sflag:s19] =	ssyncset.done $0x0  }
0x6b: {  	[sflag:s19] =	ssyncadd.s32 $0xFFFFC000  }
0x6c: {  	_ =	swait.ge [sflag:s19], $0x4000  }
0x6d: {  	p0 =	sne.s32 s8, $0x1;
	[sflag:s19] =	ssyncset.done $0x0  }
.Ltmp0:
0x6e: {  	[sflag:s19] =	ssyncadd.s32 $0xFFFFC000;
	(pc) =	sbr.rel @p0 .LBB2_1-.Ltmp0, $4  }
0x6f: {  	[hbm4b:s7+s4] =	stream.linear.scatter [tilespmem:s11], [sflag:$0x2], $0x10000, $0x38;
	[tilespmem:$0x10600] =	vst v63  }
0x70: {  	_ =	swait.ge [sflag:s9], $0x10000  }
0x71: {  	[sflag:s9] =	ssyncset.done $0x0  }
0x72: {  	s8 =	sadd.s32 $0xFFFFFFFF, s8;
	[sflag:s9] =	ssyncadd.s32 $0xFFFF0000  }
0x73: {  	_ =	sfence.sel $0x180000  }
0x74: {  	[bflag:$0x0] =	sbarrier.arrive $0xFFFF  }
0x75: {  	p0 =	sne.s32 s0, $0x0;
	_ =	strace $0x90000047  }
0x76: {  	s0 =	sadd.s32 @!p0 $0x100000, s2;
	[bflag:$0x2] =	sbarrier.arrive $0xFFFF  }
0x77: {  	[sflag:s0] =	ssyncadd.tile.s32 @!p0 $0x1;
	_ =	shalt  }
.Lfunc_end2:
_tile_overlayer_lowered:
.L_overlay_start_2:
0x78: {  	(tag) =	ssettag $0x2  }
0x79: {  	s0 =	rddreg [dreg:$0x0];
	s2 =	stileid.u32  }
0x7a: {  	s1 =	rddreg [dreg:$0x1];
	p0 =	sne.s32 s2, $0x0  }
0x7b: {  	s3 =	rddreg [dreg:$0x2];
	[bflag:$0x3] =	sbarrier.arrive $0xFFFF;
	s2 =	simm.s32 @!p0 $0x1C02  }
0x7c: {  	[timem:s3], [sflag:s2] =	dma.local @!p0 [hbm:s0], s1  }
0x7d: {  	s0 =	simm.s32 @!p0 $0x2  }
0x7e: {  	_ =	swait.ge @!p0 [sflag:s0], s1  }
0x7f: {  	s1 =	ssub.s32 @!p0 $0x0, s1;
	[sflag:s0] =	ssyncset.done @!p0 $0x0  }
0x80: {  	[sflag:s0] =	ssyncadd.s32 @!p0 s1  }
0x81: {  	[bflag:$0x3] =	sbarrier.arrive $0xFFFF  }
0x82: {  	_ =	shalt  }

</sc_bundles>
